<compile_context>
chip_gen: v7x
topology: tpu7x:2x2x1
jax: 0.10.2.dev20260603
libtpu: 0.0.44.dev20260713+nightly
codegen_flags: <defaults>
</compile_context>

<pallas_src>
import functools

import jax
import jax.numpy as jnp
from jax import lax
from jax.experimental import pallas as pl
from jax.experimental.pallas import tpu as pltpu
from jax.experimental.pallas import tpu_sc as plsc

N0, N1 = 64, 64
D0, D1 = 1024, 1024
NC, NS = 2, 16
NW = NC * NS
B = 256
BPW = B // NW
GT = 16

_mesh = plsc.VectorSubcoreMesh(core_axis_name="c", subcore_axis_name="s")


@functools.partial(
    pl.kernel,
    mesh=_mesh,
    out_type=jax.ShapeDtypeStruct((B, D1), jnp.float32),
    scratch_types=[
        pltpu.VMEM((BPW,), jnp.int32),
        pltpu.VMEM((BPW, D1), jnp.float32),
        pltpu.SemaphoreType.DMA,
    ],
)
def _sc_gather(idx_hbm, w1_hbm, out_hbm, idx_v, rows_v, sem):
    wid = lax.axis_index("s") * NC + lax.axis_index("c")
    base = wid * BPW
    pltpu.sync_copy(idx_hbm.at[pl.ds(base, BPW)], idx_v)
    pltpu.async_copy(w1_hbm.at[idx_v], rows_v, sem).wait()
    pltpu.sync_copy(rows_v, out_hbm.at[pl.ds(base, BPW)])


def _tc_body(w0_ref, g_ref, out_ref):
    for g in range(GT):
        out_ref[g, :, :D0] = w0_ref[...]
        out_ref[g, :, D0:] = jnp.broadcast_to(g_ref[g][None], (N0, D1))


def kernel(position_ids, w0, w1):
    pid = position_ids.reshape(-1).astype(jnp.int32)
    rows = _sc_gather(pid, w1.reshape(N1, D1))
    out = pl.pallas_call(
        _tc_body,
        grid=(B // GT,),
        in_specs=[
            pl.BlockSpec((N0, D0), lambda i: (0, 0)),
            pl.BlockSpec((GT, D1), lambda i: (i, 0)),
        ],
        out_specs=pl.BlockSpec((GT, N0, D0 + D1), lambda i: (i, 0, 0)),
        out_shape=jax.ShapeDtypeStruct((B, N0, D0 + D1), jnp.float32),
    )(w0.reshape(N0, D0), rows)
    return out.reshape(*position_ids.shape, N0, D0 + D1)

# --- scband reference (transcript-rebuilt; emitter-appended) ---
"""Pipeline reference for scband-axial-positional-encoding-59373627899927 (READ-ONLY COPY).

The authoritative reference and input builder live on the scoring server;
editing this copy changes nothing except your own understanding.
"""

import jax, jax.numpy as jnp
import numpy as np

AXIAL_SHAPE = (64, 64)
DIMS = (1024, 1024)


def setup_inputs(seed: int = 0) -> dict:
    key = jax.random.key(seed)
    k1, k2, k3 = jax.random.split(key, 3)
    w0 = jax.random.normal(k1, (1, AXIAL_SHAPE[0], DIMS[0]), dtype=jnp.float32)
    w1 = jax.random.normal(k2, (1, AXIAL_SHAPE[1], DIMS[1]), dtype=jnp.float32)
    position_ids = jax.random.randint(k3, (4, 64), 0, AXIAL_SHAPE[1], dtype=jnp.int64 if jax.config.jax_enable_x64 else jnp.int32)
    return {"position_ids": position_ids, "w0": w0, "w1": w1}


def reference(position_ids, w0, w1):
    n0, n1 = AXIAL_SHAPE
    d0, d1 = DIMS
    # idx == 0: w0 (1, n0, d0) expanded along axial_shape[1] -> (n1, n0, d0)
    x0 = jnp.broadcast_to(w0, (n1, n0, d0))
    # idx == 1: w1 (1, n1, d1) expanded along axial_shape[0] -> (n0, n1, d1), then transpose(1, 0)
    x1 = jnp.broadcast_to(w1, (n0, n1, d1))
    x1 = jnp.transpose(x1, (1, 0, 2))
    # NOTE: original code calls x.reshape(...) without assignment -> no-op; kept faithful.
    emb = jnp.concatenate([x0, x1], axis=-1)  # (n1, n0, d0 + d1)
    return emb[position_ids]  # (*position_ids.shape, n0, d0 + d1)

if __name__ == "__main__":
    import jax
    _d = setup_inputs()
    print(jax.jit(kernel)(*tuple(_d.values())))

</pallas_src>

<mosaic_0001>
#map = affine_map<(d0, d1) -> (0)>
#map1 = affine_map<(d0, d1) -> (0, 0)>
module attributes {stable_mosaic.version = 14 : i64} {
  func.func @_sc_gather(%arg0: i32, %arg1: i32, %arg2: memref<256xi32, #tpu.memory_space<hbm>>, %arg3: memref<64x1024xf32, #tpu.memory_space<hbm>>, %arg4: memref<256x1024xf32, #tpu.memory_space<hbm>>, %arg5: memref<8xi32, #tpu.memory_space<vmem>>, %arg6: memref<8x1024xf32, #tpu.memory_space<vmem>>, %arg7: memref<!tpu.dma_semaphore, #tpu.memory_space<semaphore_mem>>) attributes {dimension_semantics = [#tpu.dimension_semantics<core_parallel>, #tpu.dimension_semantics<subcore_parallel>], iteration_bounds = array<i64: 2, 16>, scalar_prefetch = 0 : i64, scratch_operands = 3 : i64, tpu.core_type = #tpu.core_type<sc_vector_subcore>, window_params = [{transform_indices = #map}, {transform_indices = #map1}, {transform_indices = #map1}]} {
    %mul3A = arith.constant 2 : i32
    %mul3A_0 = arith.muli %arg1, %mul3A : i32
    %add3A = arith.addi %mul3A_0, %arg0 : i32
    %mul3A_1 = arith.constant 8 : i32
    %mul3A_2 = arith.muli %add3A, %mul3A_1 : i32
    "tpu.region"() ({
      %run_scoped3A = tpu.sem_alloc : memref<!tpu.dma_semaphore, #tpu.memory_space<semaphore_mem>>
      %dma_start3A_7 = tpu.memref_slice %arg2[%mul3A_2] : memref<256xi32, #tpu.memory_space<hbm>> -> memref<8xi32, #tpu.memory_space<hbm>>
      %dma_start3A_8 = tpu.memref_slice %arg2[%mul3A_2] : memref<256xi32, #tpu.memory_space<hbm>> -> memref<8xi32, #tpu.memory_space<hbm>>
      tpu.enqueue_dma source(%dma_start3A_8 : memref<8xi32, #tpu.memory_space<hbm>>) target(%arg5 : memref<8xi32, #tpu.memory_space<vmem>>) target_semaphore(%run_scoped3A : memref<!tpu.dma_semaphore, #tpu.memory_space<semaphore_mem>>)
      %dma_wait3A_9 = tpu.memref_slice %arg2[%mul3A_2] : memref<256xi32, #tpu.memory_space<hbm>> -> memref<8xi32, #tpu.memory_space<hbm>>
      %dma_wait3A_10 = tpu.memref_slice %arg2[%mul3A_2] : memref<256xi32, #tpu.memory_space<hbm>> -> memref<8xi32, #tpu.memory_space<hbm>>
      tpu.wait_dma2 semaphore(%run_scoped3A : memref<!tpu.dma_semaphore, #tpu.memory_space<semaphore_mem>>) src(%dma_wait3A_10 : memref<8xi32, #tpu.memory_space<hbm>>) dst(%arg5 : memref<8xi32, #tpu.memory_space<vmem>>)
      tpu.yield
    }) : () -> ()
    %dma_start3A = arith.constant 0 : i32
    %dma_start3A_3 = arith.constant 0 : i32
    %dma_start3A_4 = tpu.memref_slice %arg3[%dma_start3A, %dma_start3A_3] : memref<64x1024xf32, #tpu.memory_space<hbm>> -> memref<64x1024xf32, #tpu.memory_space<hbm>>
    tpu.enqueue_indirect_dma source(%dma_start3A_4 : memref<64x1024xf32, #tpu.memory_space<hbm>>) target(%arg6 : memref<8x1024xf32, #tpu.memory_space<vmem>>) offsets(%arg5 : memref<8xi32, #tpu.memory_space<vmem>>) semaphore(%arg7 : memref<!tpu.dma_semaphore, #tpu.memory_space<semaphore_mem>>)
    %dma_wait3A = arith.constant 0 : i32
    %dma_wait3A_5 = arith.constant 0 : i32
    %dma_wait3A_6 = tpu.memref_slice %arg3[%dma_wait3A, %dma_wait3A_5] : memref<64x1024xf32, #tpu.memory_space<hbm>> -> memref<64x1024xf32, #tpu.memory_space<hbm>>
    tpu.wait_indirect_dma semaphore(%arg7 : memref<!tpu.dma_semaphore, #tpu.memory_space<semaphore_mem>>) src(%dma_wait3A_6 : memref<64x1024xf32, #tpu.memory_space<hbm>>) dst(%arg6 : memref<8x1024xf32, #tpu.memory_space<vmem>>)
    "tpu.region"() ({
      %run_scoped3A = tpu.sem_alloc : memref<!tpu.dma_semaphore, #tpu.memory_space<semaphore_mem>>
      %dma_start3A_7 = arith.constant 0 : i32
      %dma_start3A_8 = tpu.memref_slice %arg4[%mul3A_2, %dma_start3A_7] : memref<256x1024xf32, #tpu.memory_space<hbm>> -> memref<8x1024xf32, #tpu.memory_space<hbm>>
      %dma_start3A_9 = arith.constant 0 : i32
      %dma_start3A_10 = tpu.memref_slice %arg4[%mul3A_2, %dma_start3A_9] : memref<256x1024xf32, #tpu.memory_space<hbm>> -> memref<8x1024xf32, #tpu.memory_space<hbm>>
      tpu.enqueue_dma source(%arg6 : memref<8x1024xf32, #tpu.memory_space<vmem>>) target(%dma_start3A_10 : memref<8x1024xf32, #tpu.memory_space<hbm>>) target_semaphore(%run_scoped3A : memref<!tpu.dma_semaphore, #tpu.memory_space<semaphore_mem>>)
      %dma_wait3A_11 = arith.constant 0 : i32
      %dma_wait3A_12 = tpu.memref_slice %arg4[%mul3A_2, %dma_wait3A_11] : memref<256x1024xf32, #tpu.memory_space<hbm>> -> memref<8x1024xf32, #tpu.memory_space<hbm>>
      %dma_wait3A_13 = arith.constant 0 : i32
      %dma_wait3A_14 = tpu.memref_slice %arg4[%mul3A_2, %dma_wait3A_13] : memref<256x1024xf32, #tpu.memory_space<hbm>> -> memref<8x1024xf32, #tpu.memory_space<hbm>>
      tpu.wait_dma2 semaphore(%run_scoped3A : memref<!tpu.dma_semaphore, #tpu.memory_space<semaphore_mem>>) src(%arg6 : memref<8x1024xf32, #tpu.memory_space<vmem>>) dst(%dma_wait3A_14 : memref<8x1024xf32, #tpu.memory_space<hbm>>)
      tpu.yield
    }) : () -> ()
    return
  }
}

module attributes {stable_mosaic.version = 14 : i64} {
  func.func @_tc_body(%arg0: i32, %arg1: memref<64x1024xf32, #tpu.memory_space<vmem>>, %arg2: memref<16x1024xf32, #tpu.memory_space<vmem>>, %arg3: memref<16x64x2048xf32, #tpu.memory_space<vmem>>) attributes {dimension_semantics = [#tpu.dimension_semantics<arbitrary>], iteration_bounds = array<i64: 16>, scalar_prefetch = 0 : i64, scratch_operands = 0 : i64, tpu.core_type = #tpu.core_type<tc>, window_params = [{pipeline_mode = #tpu.pipeline_mode<synchronous>, transform_indices = @transform_0, window_bounds = array<i64: 64, 1024>}, {transform_indices = @transform_1, window_bounds = array<i64: 16, 1024>}, {transform_indices = @transform_2, window_bounds = array<i64: 16, 64, 2048>}]} {
    %get3A = arith.constant 0 : index
    %get3A_0 = arith.constant 0 : index
    %get3A_1 = vector.load %arg1[%get3A, %get3A_0] : memref<64x1024xf32, #tpu.memory_space<vmem>>, vector<64x1024xf32>
    %swap3A = arith.constant 0 : index
    %swap3A_2 = arith.constant 0 : index
    %swap3A_3 = arith.constant 0 : index
    %swap3A_4 = vector.load %arg3[%swap3A, %swap3A_2, %swap3A_3] : memref<16x64x2048xf32, #tpu.memory_space<vmem>>, vector<1x64x1024xf32>
    %swap3A_5 = vector.shape_cast %swap3A_4 : vector<1x64x1024xf32> to vector<64x1024xf32>
    %swap3A_6 = vector.shape_cast %get3A_1 : vector<64x1024xf32> to vector<1x64x1024xf32>
    tpu.vector_store %arg3[%swap3A, %swap3A_2, %swap3A_3], %swap3A_6 {strides = array<i32>} : memref<16x64x2048xf32, #tpu.memory_space<vmem>>, vector<1x64x1024xf32>,
    %get3A_7 = arith.constant 0 : index
    %get3A_8 = arith.constant 0 : index
    %get3A_9 = vector.load %arg2[%get3A_7, %get3A_8] : memref<16x1024xf32, #tpu.memory_space<vmem>>, vector<1x1024xf32>
    %get3A_10 = vector.shape_cast %get3A_9 : vector<1x1024xf32> to vector<1024xf32>
    %broadcast_in_dim3A = vector.shape_cast %get3A_10 : vector<1024xf32> to vector<1x1024xf32>
    %broadcast_in_dim3A_11 = vector.shape_cast %broadcast_in_dim3A : vector<1x1024xf32> to vector<1x1024xf32>
    %broadcast_in_dim3A_12 = vector.broadcast %broadcast_in_dim3A_11 : vector<1x1024xf32> to vector<64x1024xf32>
    %swap3A_13 = arith.constant 0 : index
    %swap3A_14 = arith.constant 0 : index
    %swap3A_15 = arith.constant 1024 : index
    %swap3A_16 = vector.load %arg3[%swap3A_13, %swap3A_14, %swap3A_15] : memref<16x64x2048xf32, #tpu.memory_space<vmem>>, vector<1x64x1024xf32>
    %swap3A_17 = vector.shape_cast %swap3A_16 : vector<1x64x1024xf32> to vector<64x1024xf32>
    %swap3A_18 = vector.shape_cast %broadcast_in_dim3A_12 : vector<64x1024xf32> to vector<1x64x1024xf32>
    tpu.vector_store %arg3[%swap3A_13, %swap3A_14, %swap3A_15], %swap3A_18 {strides = array<i32>} : memref<16x64x2048xf32, #tpu.memory_space<vmem>>, vector<1x64x1024xf32>,
    %get3A_19 = arith.constant 0 : index
    %get3A_20 = arith.constant 0 : index
    %get3A_21 = vector.load %arg1[%get3A_19, %get3A_20] : memref<64x1024xf32, #tpu.memory_space<vmem>>, vector<64x1024xf32>
    %swap3A_22 = arith.constant 1 : index
    %swap3A_23 = arith.constant 0 : index
    %swap3A_24 = arith.constant 0 : index
    %swap3A_25 = vector.load %arg3[%swap3A_22, %swap3A_23, %swap3A_24] : memref<16x64x2048xf32, #tpu.memory_space<vmem>>, vector<1x64x1024xf32>
    %swap3A_26 = vector.shape_cast %swap3A_25 : vector<1x64x1024xf32> to vector<64x1024xf32>
    %swap3A_27 = vector.shape_cast %get3A_21 : vector<64x1024xf32> to vector<1x64x1024xf32>
    tpu.vector_store %arg3[%swap3A_22, %swap3A_23, %swap3A_24], %swap3A_27 {strides = array<i32>} : memref<16x64x2048xf32, #tpu.memory_space<vmem>>, vector<1x64x1024xf32>,
    %get3A_28 = arith.constant 1 : index
    %get3A_29 = arith.constant 0 : index
    %get3A_30 = vector.load %arg2[%get3A_28, %get3A_29] : memref<16x1024xf32, #tpu.memory_space<vmem>>, vector<1x1024xf32>
    %get3A_31 = vector.shape_cast %get3A_30 : vector<1x1024xf32> to vector<1024xf32>
    %broadcast_in_dim3A_32 = vector.shape_cast %get3A_31 : vector<1024xf32> to vector<1x1024xf32>
    %broadcast_in_dim3A_33 = vector.shape_cast %broadcast_in_dim3A_32 : vector<1x1024xf32> to vector<1x1024xf32>
    %broadcast_in_dim3A_34 = vector.broadcast %broadcast_in_dim3A_33 : vector<1x1024xf32> to vector<64x1024xf32>
    %swap3A_35 = arith.constant 1 : index
    %swap3A_36 = arith.constant 0 : index
    %swap3A_37 = arith.constant 1024 : index
    %swap3A_38 = vector.load %arg3[%swap3A_35, %swap3A_36, %swap3A_37] : memref<16x64x2048xf32, #tpu.memory_space<vmem>>, vector<1x64x1024xf32>
    %swap3A_39 = vector.shape_cast %swap3A_38 : vector<1x64x1024xf32> to vector<64x1024xf32>
    %swap3A_40 = vector.shape_cast %broadcast_in_dim3A_34 : vector<64x1024xf32> to vector<1x64x1024xf32>
    tpu.vector_store %arg3[%swap3A_35, %swap3A_36, %swap3A_37], %swap3A_40 {strides = array<i32>} : memref<16x64x2048xf32, #tpu.memory_space<vmem>>, vector<1x64x1024xf32>,
    %get3A_41 = arith.constant 0 : index
    %get3A_42 = arith.constant 0 : index
    %get3A_43 = vector.load %arg1[%get3A_41, %get3A_42] : memref<64x1024xf32, #tpu.memory_space<vmem>>, vector<64x1024xf32>
    %swap3A_44 = arith.constant 2 : index
    %swap3A_45 = arith.constant 0 : index
    %swap3A_46 = arith.constant 0 : index
    %swap3A_47 = vector.load %arg3[%swap3A_44, %swap3A_45, %swap3A_46] : memref<16x64x2048xf32, #tpu.memory_space<vmem>>, vector<1x64x1024xf32>
    %swap3A_48 = vector.shape_cast %swap3A_47 : vector<1x64x1024xf32> to vector<64x1024xf32>
    %swap3A_49 = vector.shape_cast %get3A_43 : vector<64x1024xf32> to vector<1x64x1024xf32>
    tpu.vector_store %arg3[%swap3A_44, %swap3A_45, %swap3A_46], %swap3A_49 {strides = array<i32>} : memref<16x64x2048xf32, #tpu.memory_space<vmem>>, vector<1x64x1024xf32>,
    %get3A_50 = arith.constant 2 : index
    %get3A_51 = arith.constant 0 : index
    %get3A_52 = vector.load %arg2[%get3A_50, %get3A_51] : memref<16x1024xf32, #tpu.memory_space<vmem>>, vector<1x1024xf32>
    %get3A_53 = vector.shape_cast %get3A_52 : vector<1x1024xf32> to vector<1024xf32>
    %broadcast_in_dim3A_54 = vector.shape_cast %get3A_53 : vector<1024xf32> to vector<1x1024xf32>
    %broadcast_in_dim3A_55 = vector.shape_cast %broadcast_in_dim3A_54 : vector<1x1024xf32> to vector<1x1024xf32>
    %broadcast_in_dim3A_56 = vector.broadcast %broadcast_in_dim3A_55 : vector<1x1024xf32> to vector<64x1024xf32>
    %swap3A_57 = arith.constant 2 : index
    %swap3A_58 = arith.constant 0 : index
    %swap3A_59 = arith.constant 1024 : index
    %swap3A_60 = vector.load %arg3[%swap3A_57, %swap3A_58, %swap3A_59] : memref<16x64x2048xf32, #tpu.memory_space<vmem>>, vector<1x64x1024xf32>
    %swap3A_61 = vector.shape_cast %swap3A_60 : vector<1x64x1024xf32> to vector<64x1024xf32>
    %swap3A_62 = vector.shape_cast %broadcast_in_dim3A_56 : vector<64x1024xf32> to vector<1x64x1024xf32>
    tpu.vector_store %arg3[%swap3A_57, %swap3A_58, %swap3A_59], %swap3A_62 {strides = array<i32>} : memref<16x64x2048xf32, #tpu.memory_space<vmem>>, vector<1x64x1024xf32>,
    %get3A_63 = arith.constant 0 : index
    %get3A_64 = arith.constant 0 : index
    %get3A_65 = vector.load %arg1[%get3A_63, %get3A_64] : memref<64x1024xf32, #tpu.memory_space<vmem>>, vector<64x1024xf32>
    %swap3A_66 = arith.constant 3 : index
    %swap3A_67 = arith.constant 0 : index
    %swap3A_68 = arith.constant 0 : index
    %swap3A_69 = vector.load %arg3[%swap3A_66, %swap3A_67, %swap3A_68] : memref<16x64x2048xf32, #tpu.memory_space<vmem>>, vector<1x64x1024xf32>
    %swap3A_70 = vector.shape_cast %swap3A_69 : vector<1x64x1024xf32> to vector<64x1024xf32>
    %swap3A_71 = vector.shape_cast %get3A_65 : vector<64x1024xf32> to vector<1x64x1024xf32>
    tpu.vector_store %arg3[%swap3A_66, %swap3A_67, %swap3A_68], %swap3A_71 {strides = array<i32>} : memref<16x64x2048xf32, #tpu.memory_space<vmem>>, vector<1x64x1024xf32>,
    %get3A_72 = arith.constant 3 : index
    %get3A_73 = arith.constant 0 : index
    %get3A_74 = vector.load %arg2[%get3A_72, %get3A_73] : memref<16x1024xf32, #tpu.memory_space<vmem>>, vector<1x1024xf32>
    %get3A_75 = vector.shape_cast %get3A_74 : vector<1x1024xf32> to vector<1024xf32>
    %broadcast_in_dim3A_76 = vector.shape_cast %get3A_75 : vector<1024xf32> to vector<1x1024xf32>
    %broadcast_in_dim3A_77 = vector.shape_cast %broadcast_in_dim3A_76 : vector<1x1024xf32> to vector<1x1024xf32>
    %broadcast_in_dim3A_78 = vector.broadcast %broadcast_in_dim3A_77 : vector<1x1024xf32> to vector<64x1024xf32>
    %swap3A_79 = arith.constant 3 : index
    %swap3A_80 = arith.constant 0 : index
    %swap3A_81 = arith.constant 1024 : index
    %swap3A_82 = vector.load %arg3[%swap3A_79, %swap3A_80, %swap3A_81] : memref<16x64x2048xf32, #tpu.memory_space<vmem>>, vector<1x64x1024xf32>
    %swap3A_83 = vector.shape_cast %swap3A_82 : vector<1x64x1024xf32> to vector<64x1024xf32>
    %swap3A_84 = vector.shape_cast %broadcast_in_dim3A_78 : vector<64x1024xf32> to vector<1x64x1024xf32>
    tpu.vector_store %arg3[%swap3A_79, %swap3A_80, %swap3A_81], %swap3A_84 {strides = array<i32>} : memref<16x64x2048xf32, #tpu.memory_space<vmem>>, vector<1x64x1024xf32>,
    %get3A_85 = arith.constant 0 : index
    %get3A_86 = arith.constant 0 : index
    %get3A_87 = vector.load %arg1[%get3A_85, %get3A_86] : memref<64x1024xf32, #tpu.memory_space<vmem>>, vector<64x1024xf32>
    %swap3A_88 = arith.constant 4 : index
    %swap3A_89 = arith.constant 0 : index
    %swap3A_90 = arith.constant 0 : index
    %swap3A_91 = vector.load %arg3[%swap3A_88, %swap3A_89, %swap3A_90] : memref<16x64x2048xf32, #tpu.memory_space<vmem>>, vector<1x64x1024xf32>
    %swap3A_92 = vector.shape_cast %swap3A_91 : vector<1x64x1024xf32> to vector<64x1024xf32>
    %swap3A_93 = vector.shape_cast %get3A_87 : vector<64x1024xf32> to vector<1x64x1024xf32>
    tpu.vector_store %arg3[%swap3A_88, %swap3A_89, %swap3A_90], %swap3A_93 {strides = array<i32>} : memref<16x64x2048xf32, #tpu.memory_space<vmem>>, vector<1x64x1024xf32>,
    %get3A_94 = arith.constant 4 : index
    %get3A_95 = arith.constant 0 : index
    %get3A_96 = vector.load %arg2[%get3A_94, %get3A_95] : memref<16x1024xf32, #tpu.memory_space<vmem>>, vector<1x1024xf32>
    %get3A_97 = vector.shape_cast %get3A_96 : vector<1x1024xf32> to vector<1024xf32>
    %broadcast_in_dim3A_98 = vector.shape_cast %get3A_97 : vector<1024xf32> to vector<1x1024xf32>
    %broadcast_in_dim3A_99 = vector.shape_cast %broadcast_in_dim3A_98 : vector<1x1024xf32> to vector<1x1024xf32>
    %broadcast_in_dim3A_100 = vector.broadcast %broadcast_in_dim3A_99 : vector<1x1024xf32> to vector<64x1024xf32>
    %swap3A_101 = arith.constant 4 : index
    %swap3A_102 = arith.constant 0 : index
    %swap3A_103 = arith.constant 1024 : index
    %swap3A_104 = vector.load %arg3[%swap3A_101, %swap3A_102, %swap3A_103] : memref<16x64x2048xf32, #tpu.memory_space<vmem>>, vector<1x64x1024xf32>
    %swap3A_105 = vector.shape_cast %swap3A_104 : vector<1x64x1024xf32> to vector<64x1024xf32>
    %swap3A_106 = vector.shape_cast %broadcast_in_dim3A_100 : vector<64x1024xf32> to vector<1x64x1024xf32>
    tpu.vector_store %arg3[%swap3A_101, %swap3A_102, %swap3A_103], %swap3A_106 {strides = array<i32>} : memref<16x64x2048xf32, #tpu.memory_space<vmem>>, vector<1x64x1024xf32>,
    %get3A_107 = arith.constant 0 : index
    %get3A_108 = arith.constant 0 : index
    %get3A_109 = vector.load %arg1[%get3A_107, %get3A_108] : memref<64x1024xf32, #tpu.memory_space<vmem>>, vector<64x1024xf32>
    %swap3A_110 = arith.constant 5 : index
    %swap3A_111 = arith.constant 0 : index
    %swap3A_112 = arith.constant 0 : index
    %swap3A_113 = vector.load %arg3[%swap3A_110, %swap3A_111, %swap3A_112] : memref<16x64x2048xf32, #tpu.memory_space<vmem>>, vector<1x64x1024xf32>
    %swap3A_114 = vector.shape_cast %swap3A_113 : vector<1x64x1024xf32> to vector<64x1024xf32>
    %swap3A_115 = vector.shape_cast %get3A_109 : vector<64x1024xf32> to vector<1x64x1024xf32>
    tpu.vector_store %arg3[%swap3A_110, %swap3A_111, %swap3A_112], %swap3A_115 {strides = array<i32>} : memref<16x64x2048xf32, #tpu.memory_space<vmem>>, vector<1x64x1024xf32>,
    %get3A_116 = arith.constant 5 : index
    %get3A_117 = arith.constant 0 : index
    %get3A_118 = vector.load %arg2[%get3A_116, %get3A_117] : memref<16x1024xf32, #tpu.memory_space<vmem>>, vector<1x1024xf32>
    %get3A_119 = vector.shape_cast %get3A_118 : vector<1x1024xf32> to vector<1024xf32>
    %broadcast_in_dim3A_120 = vector.shape_cast %get3A_119 : vector<1024xf32> to vector<1x1024xf32>
    %broadcast_in_dim3A_121 = vector.shape_cast %broadcast_in_dim3A_120 : vector<1x1024xf32> to vector<1x1024xf32>
    %broadcast_in_dim3A_122 = vector.broadcast %broadcast_in_dim3A_121 : vector<1x1024xf32> to vector<64x1024xf32>
    %swap3A_123 = arith.constant 5 : index
    %swap3A_124 = arith.constant 0 : index
    %swap3A_125 = arith.constant 1024 : index
    %swap3A_126 = vector.load %arg3[%swap3A_123, %swap3A_124, %swap3A_125] : memref<16x64x2048xf32, #tpu.memory_space<vmem>>, vector<1x64x1024xf32>
    %swap3A_127 = vector.shape_cast %swap3A_126 : vector<1x64x1024xf32> to vector<64x1024xf32>
    %swap3A_128 = vector.shape_cast %broadcast_in_dim3A_122 : vector<64x1024xf32> to vector<1x64x1024xf32>
    tpu.vector_store %arg3[%swap3A_123, %swap3A_124, %swap3A_125], %swap3A_128 {strides = array<i32>} : memref<16x64x2048xf32, #tpu.memory_space<vmem>>, vector<1x64x1024xf32>,
    %get3A_129 = arith.constant 0 : index
    %get3A_130 = arith.constant 0 : index
    %get3A_131 = vector.load %arg1[%get3A_129, %get3A_130] : memref<64x1024xf32, #tpu.memory_space<vmem>>, vector<64x1024xf32>
    %swap3A_132 = arith.constant 6 : index
    %swap3A_133 = arith.constant 0 : index
    %swap3A_134 = arith.constant 0 : index
    %swap3A_135 = vector.load %arg3[%swap3A_132, %swap3A_133, %swap3A_134] : memref<16x64x2048xf32, #tpu.memory_space<vmem>>, vector<1x64x1024xf32>
    %swap3A_136 = vector.shape_cast %swap3A_135 : vector<1x64x1024xf32> to vector<64x1024xf32>
    %swap3A_137 = vector.shape_cast %get3A_131 : vector<64x1024xf32> to vector<1x64x1024xf32>
    tpu.vector_store %arg3[%swap3A_132, %swap3A_133, %swap3A_134], %swap3A_137 {strides = array<i32>} : memref<16x64x2048xf32, #tpu.memory_space<vmem>>, vector<1x64x1024xf32>,
    %get3A_138 = arith.constant 6 : index
    %get3A_139 = arith.constant 0 : index
    %get3A_140 = vector.load %arg2[%get3A_138, %get3A_139] : memref<16x1024xf32, #tpu.memory_space<vmem>>, vector<1x1024xf32>
    %get3A_141 = vector.shape_cast %get3A_140 : vector<1x1024xf32> to vector<1024xf32>
    %broadcast_in_dim3A_142 = vector.shape_cast %get3A_141 : vector<1024xf32> to vector<1x1024xf32>
    %broadcast_in_dim3A_143 = vector.shape_cast %broadcast_in_dim3A_142 : vector<1x1024xf32> to vector<1x1024xf32>
    %broadcast_in_dim3A_144 = vector.broadcast %broadcast_in_dim3A_143 : vector<1x1024xf32> to vector<64x1024xf32>
    %swap3A_145 = arith.constant 6 : index
    %swap3A_146 = arith.constant 0 : index
    %swap3A_147 = arith.constant 1024 : index
    %swap3A_148 = vector.load %arg3[%swap3A_145, %swap3A_146, %swap3A_147] : memref<16x64x2048xf32, #tpu.memory_space<vmem>>, vector<1x64x1024xf32>
    %swap3A_149 = vector.shape_cast %swap3A_148 : vector<1x64x1024xf32> to vector<64x1024xf32>
    %swap3A_150 = vector.shape_cast %broadcast_in_dim3A_144 : vector<64x1024xf32> to vector<1x64x1024xf32>
    tpu.vector_store %arg3[%swap3A_145, %swap3A_146, %swap3A_147], %swap3A_150 {strides = array<i32>} : memref<16x64x2048xf32, #tpu.memory_space<vmem>>, vector<1x64x1024xf32>,
    %get3A_151 = arith.constant 0 : index
    %get3A_152 = arith.constant 0 : index
    %get3A_153 = vector.load %arg1[%get3A_151, %get3A_152] : memref<64x1024xf32, #tpu.memory_space<vmem>>, vector<64x1024xf32>
    %swap3A_154 = arith.constant 7 : index
    %swap3A_155 = arith.constant 0 : index
    %swap3A_156 = arith.constant 0 : index
    %swap3A_157 = vector.load %arg3[%swap3A_154, %swap3A_155, %swap3A_156] : memref<16x64x2048xf32, #tpu.memory_space<vmem>>, vector<1x64x1024xf32>
    %swap3A_158 = vector.shape_cast %swap3A_157 : vector<1x64x1024xf32> to vector<64x1024xf32>
    %swap3A_159 = vector.shape_cast %get3A_153 : vector<64x1024xf32> to vector<1x64x1024xf32>
    tpu.vector_store %arg3[%swap3A_154, %swap3A_155, %swap3A_156], %swap3A_159 {strides = array<i32>} : memref<16x64x2048xf32, #tpu.memory_space<vmem>>, vector<1x64x1024xf32>,
    %get3A_160 = arith.constant 7 : index
    %get3A_161 = arith.constant 0 : index
    %get3A_162 = vector.load %arg2[%get3A_160, %get3A_161] : memref<16x1024xf32, #tpu.memory_space<vmem>>, vector<1x1024xf32>
    %get3A_163 = vector.shape_cast %get3A_162 : vector<1x1024xf32> to vector<1024xf32>
    %broadcast_in_dim3A_164 = vector.shape_cast %get3A_163 : vector<1024xf32> to vector<1x1024xf32>
    %broadcast_in_dim3A_165 = vector.shape_cast %broadcast_in_dim3A_164 : vector<1x1024xf32> to vector<1x1024xf32>
    %broadcast_in_dim3A_166 = vector.broadcast %broadcast_in_dim3A_165 : vector<1x1024xf32> to vector<64x1024xf32>
    %swap3A_167 = arith.constant 7 : index
    %swap3A_168 = arith.constant 0 : index
    %swap3A_169 = arith.constant 1024 : index
    %swap3A_170 = vector.load %arg3[%swap3A_167, %swap3A_168, %swap3A_169] : memref<16x64x2048xf32, #tpu.memory_space<vmem>>, vector<1x64x1024xf32>
    %swap3A_171 = vector.shape_cast %swap3A_170 : vector<1x64x1024xf32> to vector<64x1024xf32>
    %swap3A_172 = vector.shape_cast %broadcast_in_dim3A_166 : vector<64x1024xf32> to vector<1x64x1024xf32>
    tpu.vector_store %arg3[%swap3A_167, %swap3A_168, %swap3A_169], %swap3A_172 {strides = array<i32>} : memref<16x64x2048xf32, #tpu.memory_space<vmem>>, vector<1x64x1024xf32>,
    %get3A_173 = arith.constant 0 : index
    %get3A_174 = arith.constant 0 : index
    %get3A_175 = vector.load %arg1[%get3A_173, %get3A_174] : memref<64x1024xf32, #tpu.memory_space<vmem>>, vector<64x1024xf32>
    %swap3A_176 = arith.constant 8 : index
    %swap3A_177 = arith.constant 0 : index
    %swap3A_178 = arith.constant 0 : index
    %swap3A_179 = vector.load %arg3[%swap3A_176, %swap3A_177, %swap3A_178] : memref<16x64x2048xf32, #tpu.memory_space<vmem>>, vector<1x64x1024xf32>
    %swap3A_180 = vector.shape_cast %swap3A_179 : vector<1x64x1024xf32> to vector<64x1024xf32>
    %swap3A_181 = vector.shape_cast %get3A_175 : vector<64x1024xf32> to vector<1x64x1024xf32>
    tpu.vector_store %arg3[%swap3A_176, %swap3A_177, %swap3A_178], %swap3A_181 {strides = array<i32>} : memref<16x64x2048xf32, #tpu.memory_space<vmem>>, vector<1x64x1024xf32>,
    %get3A_182 = arith.constant 8 : index
    %get3A_183 = arith.constant 0 : index
    %get3A_184 = vector.load %arg2[%get3A_182, %get3A_183] : memref<16x1024xf32, #tpu.memory_space<vmem>>, vector<1x1024xf32>
    %get3A_185 = vector.shape_cast %get3A_184 : vector<1x1024xf32> to vector<1024xf32>
    %broadcast_in_dim3A_186 = vector.shape_cast %get3A_185 : vector<1024xf32> to vector<1x1024xf32>
    %broadcast_in_dim3A_187 = vector.shape_cast %broadcast_in_dim3A_186 : vector<1x1024xf32> to vector<1x1024xf32>
    %broadcast_in_dim3A_188 = vector.broadcast %broadcast_in_dim3A_187 : vector<1x1024xf32> to vector<64x1024xf32>
    %swap3A_189 = arith.constant 8 : index
    %swap3A_190 = arith.constant 0 : index
    %swap3A_191 = arith.constant 1024 : index
    %swap3A_192 = vector.load %arg3[%swap3A_189, %swap3A_190, %swap3A_191] : memref<16x64x2048xf32, #tpu.memory_space<vmem>>, vector<1x64x1024xf32>
    %swap3A_193 = vector.shape_cast %swap3A_192 : vector<1x64x1024xf32> to vector<64x1024xf32>
    %swap3A_194 = vector.shape_cast %broadcast_in_dim3A_188 : vector<64x1024xf32> to vector<1x64x1024xf32>
    tpu.vector_store %arg3[%swap3A_189, %swap3A_190, %swap3A_191], %swap3A_194 {strides = array<i32>} : memref<16x64x2048xf32, #tpu.memory_space<vmem>>, vector<1x64x1024xf32>,
    %get3A_195 = arith.constant 0 : index
    %get3A_196 = arith.constant 0 : index
    %get3A_197 = vector.load %arg1[%get3A_195, %get3A_196] : memref<64x1024xf32, #tpu.memory_space<vmem>>, vector<64x1024xf32>
    %swap3A_198 = arith.constant 9 : index
    %swap3A_199 = arith.constant 0 : index
    %swap3A_200 = arith.constant 0 : index
    %swap3A_201 = vector.load %arg3[%swap3A_198, %swap3A_199, %swap3A_200] : memref<16x64x2048xf32, #tpu.memory_space<vmem>>, vector<1x64x1024xf32>
    %swap3A_202 = vector.shape_cast %swap3A_201 : vector<1x64x1024xf32> to vector<64x1024xf32>
    %swap3A_203 = vector.shape_cast %get3A_197 : vector<64x1024xf32> to vector<1x64x1024xf32>
    tpu.vector_store %arg3[%swap3A_198, %swap3A_199, %swap3A_200], %swap3A_203 {strides = array<i32>} : memref<16x64x2048xf32, #tpu.memory_space<vmem>>, vector<1x64x1024xf32>,
    %get3A_204 = arith.constant 9 : index
    %get3A_205 = arith.constant 0 : index
    %get3A_206 = vector.load %arg2[%get3A_204, %get3A_205] : memref<16x1024xf32, #tpu.memory_space<vmem>>, vector<1x1024xf32>
    %get3A_207 = vector.shape_cast %get3A_206 : vector<1x1024xf32> to vector<1024xf32>
    %broadcast_in_dim3A_208 = vector.shape_cast %get3A_207 : vector<1024xf32> to vector<1x1024xf32>
    %broadcast_in_dim3A_209 = vector.shape_cast %broadcast_in_dim3A_208 : vector<1x1024xf32> to vector<1x1024xf32>
    %broadcast_in_dim3A_210 = vector.broadcast %broadcast_in_dim3A_209 : vector<1x1024xf32> to vector<64x1024xf32>
    %swap3A_211 = arith.constant 9 : index
    %swap3A_212 = arith.constant 0 : index
    %swap3A_213 = arith.constant 1024 : index
    %swap3A_214 = vector.load %arg3[%swap3A_211, %swap3A_212, %swap3A_213] : memref<16x64x2048xf32, #tpu.memory_space<vmem>>, vector<1x64x1024xf32>
    %swap3A_215 = vector.shape_cast %swap3A_214 : vector<1x64x1024xf32> to vector<64x1024xf32>
    %swap3A_216 = vector.shape_cast %broadcast_in_dim3A_210 : vector<64x1024xf32> to vector<1x64x1024xf32>
    tpu.vector_store %arg3[%swap3A_211, %swap3A_212, %swap3A_213], %swap3A_216 {strides = array<i32>} : memref<16x64x2048xf32, #tpu.memory_space<vmem>>, vector<1x64x1024xf32>,
    %get3A_217 = arith.constant 0 : index
    %get3A_218 = arith.constant 0 : index
    %get3A_219 = vector.load %arg1[%get3A_217, %get3A_218] : memref<64x1024xf32, #tpu.memory_space<vmem>>, vector<64x1024xf32>
    %swap3A_220 = arith.constant 10 : index
    %swap3A_221 = arith.constant 0 : index
    %swap3A_222 = arith.constant 0 : index
    %swap3A_223 = vector.load %arg3[%swap3A_220, %swap3A_221, %swap3A_222] : memref<16x64x2048xf32, #tpu.memory_space<vmem>>, vector<1x64x1024xf32>
    %swap3A_224 = vector.shape_cast %swap3A_223 : vector<1x64x1024xf32> to vector<64x1024xf32>
    %swap3A_225 = vector.shape_cast %get3A_219 : vector<64x1024xf32> to vector<1x64x1024xf32>
    tpu.vector_store %arg3[%swap3A_220, %swap3A_221, %swap3A_222], %swap3A_225 {strides = array<i32>} : memref<16x64x2048xf32, #tpu.memory_space<vmem>>, vector<1x64x1024xf32>,
    %get3A_226 = arith.constant 10 : index
    %get3A_227 = arith.constant 0 : index
    %get3A_228 = vector.load %arg2[%get3A_226, %get3A_227] : memref<16x1024xf32, #tpu.memory_space<vmem>>, vector<1x1024xf32>
    %get3A_229 = vector.shape_cast %get3A_228 : vector<1x1024xf32> to vector<1024xf32>
    %broadcast_in_dim3A_230 = vector.shape_cast %get3A_229 : vector<1024xf32> to vector<1x1024xf32>
    %broadcast_in_dim3A_231 = vector.shape_cast %broadcast_in_dim3A_230 : vector<1x1024xf32> to vector<1x1024xf32>
    %broadcast_in_dim3A_232 = vector.broadcast %broadcast_in_dim3A_231 : vector<1x1024xf32> to vector<64x1024xf32>
    %swap3A_233 = arith.constant 10 : index
    %swap3A_234 = arith.constant 0 : index
    %swap3A_235 = arith.constant 1024 : index
    %swap3A_236 = vector.load %arg3[%swap3A_233, %swap3A_234, %swap3A_235] : memref<16x64x2048xf32, #tpu.memory_space<vmem>>, vector<1x64x1024xf32>
    %swap3A_237 = vector.shape_cast %swap3A_236 : vector<1x64x1024xf32> to vector<64x1024xf32>
    %swap3A_238 = vector.shape_cast %broadcast_in_dim3A_232 : vector<64x1024xf32> to vector<1x64x1024xf32>
    tpu.vector_store %arg3[%swap3A_233, %swap3A_234, %swap3A_235], %swap3A_238 {strides = array<i32>} : memref<16x64x2048xf32, #tpu.memory_space<vmem>>, vector<1x64x1024xf32>,
    %get3A_239 = arith.constant 0 : index
    %get3A_240 = arith.constant 0 : index
    %get3A_241 = vector.load %arg1[%get3A_239, %get3A_240] : memref<64x1024xf32, #tpu.memory_space<vmem>>, vector<64x1024xf32>
    %swap3A_242 = arith.constant 11 : index
    %swap3A_243 = arith.constant 0 : index
    %swap3A_244 = arith.constant 0 : index
    %swap3A_245 = vector.load %arg3[%swap3A_242, %swap3A_243, %swap3A_244] : memref<16x64x2048xf32, #tpu.memory_space<vmem>>, vector<1x64x1024xf32>
    %swap3A_246 = vector.shape_cast %swap3A_245 : vector<1x64x1024xf32> to vector<64x1024xf32>
    %swap3A_247 = vector.shape_cast %get3A_241 : vector<64x1024xf32> to vector<1x64x1024xf32>
    tpu.vector_store %arg3[%swap3A_242, %swap3A_243, %swap3A_244], %swap3A_247 {strides = array<i32>} : memref<16x64x2048xf32, #tpu.memory_space<vmem>>, vector<1x64x1024xf32>,
    %get3A_248 = arith.constant 11 : index
    %get3A_249 = arith.constant 0 : index
    %get3A_250 = vector.load %arg2[%get3A_248, %get3A_249] : memref<16x1024xf32, #tpu.memory_space<vmem>>, vector<1x1024xf32>
    %get3A_251 = vector.shape_cast %get3A_250 : vector<1x1024xf32> to vector<1024xf32>
    %broadcast_in_dim3A_252 = vector.shape_cast %get3A_251 : vector<1024xf32> to vector<1x1024xf32>
    %broadcast_in_dim3A_253 = vector.shape_cast %broadcast_in_dim3A_252 : vector<1x1024xf32> to vector<1x1024xf32>
    %broadcast_in_dim3A_254 = vector.broadcast %broadcast_in_dim3A_253 : vector<1x1024xf32> to vector<64x1024xf32>
    %swap3A_255 = arith.constant 11 : index
    %swap3A_256 = arith.constant 0 : index
    %swap3A_257 = arith.constant 1024 : index
    %swap3A_258 = vector.load %arg3[%swap3A_255, %swap3A_256, %swap3A_257] : memref<16x64x2048xf32, #tpu.memory_space<vmem>>, vector<1x64x1024xf32>
    %swap3A_259 = vector.shape_cast %swap3A_258 : vector<1x64x1024xf32> to vector<64x1024xf32>
    %swap3A_260 = vector.shape_cast %broadcast_in_dim3A_254 : vector<64x1024xf32> to vector<1x64x1024xf32>
    tpu.vector_store %arg3[%swap3A_255, %swap3A_256, %swap3A_257], %swap3A_260 {strides = array<i32>} : memref<16x64x2048xf32, #tpu.memory_space<vmem>>, vector<1x64x1024xf32>,
    %get3A_261 = arith.constant 0 : index
    %get3A_262 = arith.constant 0 : index
    %get3A_263 = vector.load %arg1[%get3A_261, %get3A_262] : memref<64x1024xf32, #tpu.memory_space<vmem>>, vector<64x1024xf32>
    %swap3A_264 = arith.constant 12 : index
    %swap3A_265 = arith.constant 0 : index
    %swap3A_266 = arith.constant 0 : index
    %swap3A_267 = vector.load %arg3[%swap3A_264, %swap3A_265, %swap3A_266] : memref<16x64x2048xf32, #tpu.memory_space<vmem>>, vector<1x64x1024xf32>
    %swap3A_268 = vector.shape_cast %swap3A_267 : vector<1x64x1024xf32> to vector<64x1024xf32>
    %swap3A_269 = vector.shape_cast %get3A_263 : vector<64x1024xf32> to vector<1x64x1024xf32>
    tpu.vector_store %arg3[%swap3A_264, %swap3A_265, %swap3A_266], %swap3A_269 {strides = array<i32>} : memref<16x64x2048xf32, #tpu.memory_space<vmem>>, vector<1x64x1024xf32>,
    %get3A_270 = arith.constant 12 : index
    %get3A_271 = arith.constant 0 : index
    %get3A_272 = vector.load %arg2[%get3A_270, %get3A_271] : memref<16x1024xf32, #tpu.memory_space<vmem>>, vector<1x1024xf32>
    %get3A_273 = vector.shape_cast %get3A_272 : vector<1x1024xf32> to vector<1024xf32>
    %broadcast_in_dim3A_274 = vector.shape_cast %get3A_273 : vector<1024xf32> to vector<1x1024xf32>
    %broadcast_in_dim3A_275 = vector.shape_cast %broadcast_in_dim3A_274 : vector<1x1024xf32> to vector<1x1024xf32>
    %broadcast_in_dim3A_276 = vector.broadcast %broadcast_in_dim3A_275 : vector<1x1024xf32> to vector<64x1024xf32>
    %swap3A_277 = arith.constant 12 : index
    %swap3A_278 = arith.constant 0 : index
    %swap3A_279 = arith.constant 1024 : index
    %swap3A_280 = vector.load %arg3[%swap3A_277, %swap3A_278, %swap3A_279] : memref<16x64x2048xf32, #tpu.memory_space<vmem>>, vector<1x64x1024xf32>
    %swap3A_281 = vector.shape_cast %swap3A_280 : vector<1x64x1024xf32> to vector<64x1024xf32>
    %swap3A_282 = vector.shape_cast %broadcast_in_dim3A_276 : vector<64x1024xf32> to vector<1x64x1024xf32>
    tpu.vector_store %arg3[%swap3A_277, %swap3A_278, %swap3A_279], %swap3A_282 {strides = array<i32>} : memref<16x64x2048xf32, #tpu.memory_space<vmem>>, vector<1x64x1024xf32>,
    %get3A_283 = arith.constant 0 : index
    %get3A_284 = arith.constant 0 : index
    %get3A_285 = vector.load %arg1[%get3A_283, %get3A_284] : memref<64x1024xf32, #tpu.memory_space<vmem>>, vector<64x1024xf32>
    %swap3A_286 = arith.constant 13 : index
    %swap3A_287 = arith.constant 0 : index
    %swap3A_288 = arith.constant 0 : index
    %swap3A_289 = vector.load %arg3[%swap3A_286, %swap3A_287, %swap3A_288] : memref<16x64x2048xf32, #tpu.memory_space<vmem>>, vector<1x64x1024xf32>
    %swap3A_290 = vector.shape_cast %swap3A_289 : vector<1x64x1024xf32> to vector<64x1024xf32>
    %swap3A_291 = vector.shape_cast %get3A_285 : vector<64x1024xf32> to vector<1x64x1024xf32>
    tpu.vector_store %arg3[%swap3A_286, %swap3A_287, %swap3A_288], %swap3A_291 {strides = array<i32>} : memref<16x64x2048xf32, #tpu.memory_space<vmem>>, vector<1x64x1024xf32>,
    %get3A_292 = arith.constant 13 : index
    %get3A_293 = arith.constant 0 : index
    %get3A_294 = vector.load %arg2[%get3A_292, %get3A_293] : memref<16x1024xf32, #tpu.memory_space<vmem>>, vector<1x1024xf32>
    %get3A_295 = vector.shape_cast %get3A_294 : vector<1x1024xf32> to vector<1024xf32>
    %broadcast_in_dim3A_296 = vector.shape_cast %get3A_295 : vector<1024xf32> to vector<1x1024xf32>
    %broadcast_in_dim3A_297 = vector.shape_cast %broadcast_in_dim3A_296 : vector<1x1024xf32> to vector<1x1024xf32>
    %broadcast_in_dim3A_298 = vector.broadcast %broadcast_in_dim3A_297 : vector<1x1024xf32> to vector<64x1024xf32>
    %swap3A_299 = arith.constant 13 : index
    %swap3A_300 = arith.constant 0 : index
    %swap3A_301 = arith.constant 1024 : index
    %swap3A_302 = vector.load %arg3[%swap3A_299, %swap3A_300, %swap3A_301] : memref<16x64x2048xf32, #tpu.memory_space<vmem>>, vector<1x64x1024xf32>
    %swap3A_303 = vector.shape_cast %swap3A_302 : vector<1x64x1024xf32> to vector<64x1024xf32>
    %swap3A_304 = vector.shape_cast %broadcast_in_dim3A_298 : vector<64x1024xf32> to vector<1x64x1024xf32>
    tpu.vector_store %arg3[%swap3A_299, %swap3A_300, %swap3A_301], %swap3A_304 {strides = array<i32>} : memref<16x64x2048xf32, #tpu.memory_space<vmem>>, vector<1x64x1024xf32>,
    %get3A_305 = arith.constant 0 : index
    %get3A_306 = arith.constant 0 : index
    %get3A_307 = vector.load %arg1[%get3A_305, %get3A_306] : memref<64x1024xf32, #tpu.memory_space<vmem>>, vector<64x1024xf32>
    %swap3A_308 = arith.constant 14 : index
    %swap3A_309 = arith.constant 0 : index
    %swap3A_310 = arith.constant 0 : index
    %swap3A_311 = vector.load %arg3[%swap3A_308, %swap3A_309, %swap3A_310] : memref<16x64x2048xf32, #tpu.memory_space<vmem>>, vector<1x64x1024xf32>
    %swap3A_312 = vector.shape_cast %swap3A_311 : vector<1x64x1024xf32> to vector<64x1024xf32>
    %swap3A_313 = vector.shape_cast %get3A_307 : vector<64x1024xf32> to vector<1x64x1024xf32>
    tpu.vector_store %arg3[%swap3A_308, %swap3A_309, %swap3A_310], %swap3A_313 {strides = array<i32>} : memref<16x64x2048xf32, #tpu.memory_space<vmem>>, vector<1x64x1024xf32>,
    %get3A_314 = arith.constant 14 : index
    %get3A_315 = arith.constant 0 : index
    %get3A_316 = vector.load %arg2[%get3A_314, %get3A_315] : memref<16x1024xf32, #tpu.memory_space<vmem>>, vector<1x1024xf32>
    %get3A_317 = vector.shape_cast %get3A_316 : vector<1x1024xf32> to vector<1024xf32>
    %broadcast_in_dim3A_318 = vector.shape_cast %get3A_317 : vector<1024xf32> to vector<1x1024xf32>
    %broadcast_in_dim3A_319 = vector.shape_cast %broadcast_in_dim3A_318 : vector<1x1024xf32> to vector<1x1024xf32>
    %broadcast_in_dim3A_320 = vector.broadcast %broadcast_in_dim3A_319 : vector<1x1024xf32> to vector<64x1024xf32>
    %swap3A_321 = arith.constant 14 : index
    %swap3A_322 = arith.constant 0 : index
    %swap3A_323 = arith.constant 1024 : index
    %swap3A_324 = vector.load %arg3[%swap3A_321, %swap3A_322, %swap3A_323] : memref<16x64x2048xf32, #tpu.memory_space<vmem>>, vector<1x64x1024xf32>
    %swap3A_325 = vector.shape_cast %swap3A_324 : vector<1x64x1024xf32> to vector<64x1024xf32>
    %swap3A_326 = vector.shape_cast %broadcast_in_dim3A_320 : vector<64x1024xf32> to vector<1x64x1024xf32>
    tpu.vector_store %arg3[%swap3A_321, %swap3A_322, %swap3A_323], %swap3A_326 {strides = array<i32>} : memref<16x64x2048xf32, #tpu.memory_space<vmem>>, vector<1x64x1024xf32>,
    %get3A_327 = arith.constant 0 : index
    %get3A_328 = arith.constant 0 : index
    %get3A_329 = vector.load %arg1[%get3A_327, %get3A_328] : memref<64x1024xf32, #tpu.memory_space<vmem>>, vector<64x1024xf32>
    %swap3A_330 = arith.constant 15 : index
    %swap3A_331 = arith.constant 0 : index
    %swap3A_332 = arith.constant 0 : index
    %swap3A_333 = vector.load %arg3[%swap3A_330, %swap3A_331, %swap3A_332] : memref<16x64x2048xf32, #tpu.memory_space<vmem>>, vector<1x64x1024xf32>
    %swap3A_334 = vector.shape_cast %swap3A_333 : vector<1x64x1024xf32> to vector<64x1024xf32>
    %swap3A_335 = vector.shape_cast %get3A_329 : vector<64x1024xf32> to vector<1x64x1024xf32>
    tpu.vector_store %arg3[%swap3A_330, %swap3A_331, %swap3A_332], %swap3A_335 {strides = array<i32>} : memref<16x64x2048xf32, #tpu.memory_space<vmem>>, vector<1x64x1024xf32>,
    %get3A_336 = arith.constant 15 : index
    %get3A_337 = arith.constant 0 : index
    %get3A_338 = vector.load %arg2[%get3A_336, %get3A_337] : memref<16x1024xf32, #tpu.memory_space<vmem>>, vector<1x1024xf32>
    %get3A_339 = vector.shape_cast %get3A_338 : vector<1x1024xf32> to vector<1024xf32>
    %broadcast_in_dim3A_340 = vector.shape_cast %get3A_339 : vector<1024xf32> to vector<1x1024xf32>
    %broadcast_in_dim3A_341 = vector.shape_cast %broadcast_in_dim3A_340 : vector<1x1024xf32> to vector<1x1024xf32>
    %broadcast_in_dim3A_342 = vector.broadcast %broadcast_in_dim3A_341 : vector<1x1024xf32> to vector<64x1024xf32>
    %swap3A_343 = arith.constant 15 : index
    %swap3A_344 = arith.constant 0 : index
    %swap3A_345 = arith.constant 1024 : index
    %swap3A_346 = vector.load %arg3[%swap3A_343, %swap3A_344, %swap3A_345] : memref<16x64x2048xf32, #tpu.memory_space<vmem>>, vector<1x64x1024xf32>
    %swap3A_347 = vector.shape_cast %swap3A_346 : vector<1x64x1024xf32> to vector<64x1024xf32>
    %swap3A_348 = vector.shape_cast %broadcast_in_dim3A_342 : vector<64x1024xf32> to vector<1x64x1024xf32>
    tpu.vector_store %arg3[%swap3A_343, %swap3A_344, %swap3A_345], %swap3A_348 {strides = array<i32>} : memref<16x64x2048xf32, #tpu.memory_space<vmem>>, vector<1x64x1024xf32>,
    return
  }
  func.func @transform_0(%arg0: i32) -> (i32, i32) {
    %c0_i32 = arith.constant 0 : i32
    %c0_i32_0 = arith.constant 0 : i32
    %c0_i32_1 = arith.constant 0 : i32
    return %c0_i32, %c0_i32_0 : i32, i32
  }
  func.func @transform_1(%arg0: i32) -> (i32, i32) {
    %c0_i32 = arith.constant 0 : i32
    %c0_i32_0 = arith.constant 0 : i32
    return %arg0, %c0_i32 : i32, i32
  }
  func.func @transform_2(%arg0: i32) -> (i32, i32, i32) {
    %c0_i32 = arith.constant 0 : i32
    %c0_i32_0 = arith.constant 0 : i32
    %c0_i32_1 = arith.constant 0 : i32
    return %arg0, %c0_i32, %c0_i32_0 : i32, i32, i32
  }
}

</mosaic_0001>

<sc_bundles>
// kernel: kernel.4.cloned.1.call-start
scs
__scs_entry_jumppad:
0x0: {  	(pc) =	sbr.rel $0x88, $3  }
0x1: {  	(tag) =	ssettag $0x0;
	lr =	simm.s32 $0x1  }
0x2: {  	[smem:$0x3F9E] =	sst lr;
	_ =	strace $0xD0000000  }
0x3: {  	_ = 	snop  }
0x4: {  	_ = 	snop  }
0x5: {  	_ = 	snop  }
0x6: {  	_ = 	snop  }
0x7: {  	_ = 	snop  }
__scs_overlays_trampoline_lowered:
0x8: {  	[smem:$0x3FAD] =	sst s0  }
0x9: {  	[smem:$0x3FAE] =	sst s1  }
0xa: {  	[smem:$0x3FAF] =	sst s2  }
0xb: {  	[smem:$0x3FB0] =	sst s3  }
0xc: {  	[smem:$0x3FB1] =	sst s4  }
0xd: {  	[smem:$0x3FB2] =	sst s5  }
0xe: {  	[smem:$0x3FB3] =	sst s6  }
0xf: {  	[smem:$0x3FB4] =	sst s7  }
0x10: {  	[smem:$0x3FB5] =	sst s8  }
0x11: {  	[smem:$0x3FB6] =	sst s9;
	s0 =	simm.s32 @!p0 $0x0  }
0x12: {  	s1 =	sld [smem:$0x3F9C];
	s0 =	simm.s32 @p0 $0x1  }
0x13: {  	[smem:$0x3FB7] =	sst s0;
	s0 =	simm.s32 @!p1 $0x0  }
0x14: {  	s2 =	sld [smem:$0x3F9B];
	s0 =	simm.s32 @p1 $0x1  }
0x15: {  	[smem:$0x3FB8] =	sst s0;
	s0 =	simm.s32 @!p2 $0x0  }
0x16: {  	s3 =	sld [smem:$0x3FDB];
	s0 =	simm.s32 @p2 $0x1  }
0x17: {  	s4 =	simm.s32 $0x1BF5;
	[smem:$0x3FBA] =	sst s0  }
0x18: {  	s0 =	sld [smem:$0x3F9D];
	_ =	swait.ge [sflag:s4], $0x0  }
0x19: {  	s7 =	sld [smem:$0x3F9E]  }
0x1a: {  	s8 =	sadd.s32 $0xFFFFE003, lr  }
0x1b: {  	s9 =	sadd.s32 $0xFFFFFEF7, lr;
	s5 =	simm.s32 $0xFFFFFFFF;
	p2 =	slt.u32 s8, $0xFFFFF086  }
0x1c: {  	p1 =	slt.u32 s9, $0xF7A;
	s5 =	simm.s32 @!p2 $0x0  }
0x1d: {  	s5 =	simm.s32 @p1 $0x1;
	p0 =	seq.s32 s7, s2  }
0x1e: {  	s7 =	smul.u32 @!p0 $0xF7A, s2;
	p2 =	seq.s32 @!p0 s5, $0x0  }
0x1f: {  	s9 =	smul.u32 $0xF7A, s1;
	s8 =	simm.s32 @!p0 $0x1BF5;
	p2 =	por !p2, p0  }
0x20: {  	[sflag:s8] =	ssyncset.s32 @!p0 $0xFFFFF086;
	s6 =	sadd.s32 @!p0 s3, s7;
	s7 =	simm.s32 @!p0 $0x108  }
0x21: {  	s3 =	sadd.s32 s3, s9;
	s6 =	sadd.s32 @!p0 $0x88, s6;
	s7 =	simm.s32 @p2 $0x1082  }
0x22: {  	[simem:s7], [sflag:s8] =	dma.local @!p0 [hbm:s6], $0xF7A  }
0x23: {  	s9 =	sor.u32 $0xD0000000, s2;
	s6 =	simm.s32 $0x108;
	_ =	swait.ge @!p0 [sflag:s8], $0x0  }
0x24: {  	s3 =	sadd.s32 $0x88, s3;
	s6 =	simm.s32 @!p1 $0x1082;
	[sflag:s4] =	ssyncset.s32 $0xFFFFF086  }
0x25: {  	[simem:s6], [sflag:s4] =	dma.local [hbm:s3], $0xF7A  }
0x26: {  	[smem:$0x3F9E] =	sst s1;
	(tag) =	ssettag s2;
	_ =	strace s9  }
0x27: {  	s1 =	sld [smem:$0x3FAE]  }
0x28: {  	s2 =	sld [smem:$0x3FAF]  }
0x29: {  	s4 =	sld [smem:$0x3FB1]  }
0x2a: {  	p0 =	seq.s32 s5, $0x0;
	s5 =	sld [smem:$0x3FB2]  }
0x2b: {  	s6 =	sld [smem:$0x3FB3]  }
0x2c: {  	s7 =	sld [smem:$0x3FB4]  }
0x2d: {  	s3 =	simm.s32 $0x108;
	s8 =	sld [smem:$0x3FB5]  }
0x2e: {  	s3 =	simm.s32 @!p0 $0x1082;
	s9 =	sld [smem:$0x3FB6]  }
0x2f: {  	lr =	sadd.s32 s0, s3;
	s0 =	sld [smem:$0x3FAD]  }
0x30: {  	s3 =	sld [smem:$0x3FB0]  }
0x31: {  	[smem:$0x3FB9] =	sst s10  }
0x32: {  	s10 =	sld [smem:$0x3FB7];
	_ =	sdelay $0x3  }
0x33: {  	p0 =	seq.s32 s10, $0x1;
	s10 =	sld [smem:$0x3FB9];
	_ =	sdelay $0x3  }
0x34: {  	[smem:$0x3FB9] =	sst s10  }
0x35: {  	s10 =	sld [smem:$0x3FB8];
	_ =	sdelay $0x3  }
0x36: {  	p1 =	seq.s32 s10, $0x1;
	s10 =	sld [smem:$0x3FB9];
	_ =	sdelay $0x3  }
0x37: {  	[smem:$0x3FB9] =	sst s10  }
0x38: {  	s10 =	sld [smem:$0x3FBA]  }
0x39: {  	_ = 	snop;
	(pc) =	sbr.ind lr, $3  }
0x3a: {  	_ = 	snop  }
0x3b: {  	_ = 	snop  }
0x3c: {  	p2 =	seq.s32 s10, $0x1;
	s10 =	sld [smem:$0x3FB9]  }
0x3d: {  	_ =	shalt  }
0x3e: {  	_ =	shalt  }
0x3f: {  	_ =	shalt  }
0x40: {  	_ =	shalt  }
0x41: {  	_ =	shalt  }
0x42: {  	_ =	shalt  }
0x43: {  	_ =	shalt  }
0x44: {  	_ =	shalt  }
0x45: {  	_ =	shalt  }
0x46: {  	_ =	shalt  }
0x47: {  	_ =	shalt  }
0x48: {  	_ =	shalt  }
0x49: {  	_ =	shalt  }
0x4a: {  	_ =	shalt  }
0x4b: {  	_ =	shalt  }
0x4c: {  	_ =	shalt  }
0x4d: {  	_ =	shalt  }
0x4e: {  	_ =	shalt  }
0x4f: {  	_ =	shalt  }
0x50: {  	_ =	shalt  }
0x51: {  	_ =	shalt  }
0x52: {  	_ =	shalt  }
0x53: {  	_ =	shalt  }
0x54: {  	_ =	shalt  }
0x55: {  	_ =	shalt  }
0x56: {  	_ =	shalt  }
0x57: {  	_ =	shalt  }
0x58: {  	_ =	shalt  }
0x59: {  	_ =	shalt  }
0x5a: {  	_ =	shalt  }
0x5b: {  	_ =	shalt  }
0x5c: {  	_ =	shalt  }
0x5d: {  	_ =	shalt  }
0x5e: {  	_ =	shalt  }
0x5f: {  	_ =	shalt  }
0x60: {  	_ =	shalt  }
0x61: {  	_ =	shalt  }
0x62: {  	_ =	shalt  }
0x63: {  	_ =	shalt  }
0x64: {  	_ =	shalt  }
0x65: {  	_ =	shalt  }
0x66: {  	_ =	shalt  }
0x67: {  	_ =	shalt  }
0x68: {  	_ =	shalt  }
0x69: {  	_ =	shalt  }
0x6a: {  	_ =	shalt  }
0x6b: {  	_ =	shalt  }
0x6c: {  	_ =	shalt  }
0x6d: {  	_ =	shalt  }
0x6e: {  	_ =	shalt  }
0x6f: {  	_ =	shalt  }
0x70: {  	_ =	shalt  }
0x71: {  	_ =	shalt  }
0x72: {  	_ =	shalt  }
0x73: {  	_ =	shalt  }
0x74: {  	_ =	shalt  }
0x75: {  	_ =	shalt  }
0x76: {  	_ =	shalt  }
0x77: {  	_ =	shalt  }
0x78: {  	_ =	shalt  }
0x79: {  	_ =	shalt  }
0x7a: {  	_ =	shalt  }
0x7b: {  	_ =	shalt  }
0x7c: {  	_ =	shalt  }
0x7d: {  	_ =	shalt  }
0x7e: {  	_ =	shalt  }
0x7f: {  	_ =	shalt  }
0x80: {  	_ =	shalt  }
0x81: {  	_ =	shalt  }
0x82: {  	_ =	shalt  }
0x83: {  	_ =	shalt  }
0x84: {  	_ =	shalt  }
0x85: {  	_ =	shalt  }
0x86: {  	_ =	shalt  }
0x87: {  	_ =	shalt  }
.Lfunc_end0:
.L_simem_size_0:
called_computation_lowered:
.L_overlay_start_0:
0x88: {  	s2 =	sld [smem:$0x3FD9]  }
0x89: {  	s3 =	sld [smem:$0x3FFE];
	_ =	sdelay $0x1  }
0x8a: {  	s1 =	srdreg.scid  }
0x8b: {  	s0 =	sand.u32 $0x1, s1  }
0x8c: {  	s17 =	sshll.u32 s0, $0xA;
	s2 =	sadd.s32 s3, s2  }
0x8d: {  	s2 =	sadd.s32 s2, s17  }
0x8e: {  	[smem:$0x3FC5] =	sst s2  }
0x8f: {  	_ = 	snop  }
0x90: {  	s2 =	sld [smem:$0x3FC7]  }
0x91: {  	s18 =	sld [smem:$0x3FD0];
	(tm) =	ssettm $0x1  }
0x92: {  	s4 =	sld [smem:$0x3FFB];
	_ =	sdelay $0x3  }
0x93: {  	_ =	strace s4  }
0x94: {  	s4 =	sld [smem:$0x3FFC];
	_ =	sdelay $0x3  }
0x95: {  	_ =	strace s4  }
0x96: {  	s4 =	sld [smem:$0x3FFD];
	_ =	sdelay $0x3  }
0x97: {  	_ =	strace s4  }
0x98: {  	_ =	strace $0x8FFFFFFF  }
0x99: {  	s19 =	sld [smem:$0x3FDB];
	_ =	sdelay $0x1  }
0x9a: {  	s5 =	simm.s32 $_scs_section_size  }
0x9b: {  	s6 =	simm.s32 $_size__tile_overlayer_lowered;
	s7 =	simm.s32 $_tile_overlayer_lowered  }
0x9c: {  	s22 =	simm.s32 $0x1BFF;
	s21 =	sshll.u32 s7, $0x1;
	s4 =	sadd.s32 s5, s19  }
0x9d: {  	s8 =	simm.s32 $0x0;
	s20 =	sshll.u32 s6, $0x1;
	s6 =	sadd.s32 s21, s4  }
0x9e: {  	[timem:s8], [sflag:s22] =	dma.local [hbm:s6], s20  }
0x9f: {  	_ =	swait.ge [sflag:s22], s20  }
0xa0: {  	s5 =	ssub.s32 $0x0, s20;
	[sflag:s22] =	ssyncset.done $0x0  }
0xa1: {  	[sflag:s22] =	ssyncadd.s32 s5;
	_ =	sdelay $0x1  }
0xa2: {  	s23 =	simm.s32 $0x1B8B  }
0xa3: {  	_ =	swait.ge [sflag:s23], $0x1  }
0xa4: {  	[sflag:s23] =	ssyncset.done $0x0  }
0xa5: {  	s25 =	simm.s32 $0x1B8E;
	s24 =	sld [smem:$0x3FFE];
	[sflag:s23] =	ssyncadd.s32 $0xFFFFFFFF  }
0xa6: {  	s26 =	simm.s32 $execute0_lowered;
	[smem:$0x3FD2] =	sst s25  }
0xa7: {  	s6 =	sshll.u32 s26, $0x1;
	_ =	strace $0x80000046;
	[dreg:$0x1] =	wrdreg $0xFFFFFFFF  }
0xa8: {  	s28 =	simm.s32 $_size_execute0_lowered;
	s4 =	sadd.s32 s4, s6;
	[dreg:$0x0] =	wrdreg $0x0  }
0xa9: {  	s6 =	sshll.u32 s28, $0x1;
	[dreg:$0x2] =	wrdreg s4  }
0xaa: {  	[dreg:$0x3] =	wrdreg s6  }
0xab: {  	[dreg:$0x4] =	wrdreg $0xC0  }
0xac: {  	_ =	task [dreg:s8], $0x5FFFF  }
0xad: {  	[dreg:$0x1] =	wrdreg $0xFFFFFFFF  }
0xae: {  	[dreg:$0x0] =	wrdreg $0x60  }
0xaf: {  	[dreg:$0x2] =	wrdreg s24  }
0xb0: {  	[dreg:$0x3] =	wrdreg s2  }
0xb1: {  	[dreg:$0x4] =	wrdreg s18  }
0xb2: {  	[dreg:$0x5] =	wrdreg $0x9  }
0xb3: {  	_ =	task.clear_ibuf [dreg:s8], $0x6FFFF;
	_ =	strace $0x90000046  }
0xb4: {  	s29 =	simm.s32 $0x9;
	_ =	strace $0x80000048  }
0xb5: {  	_ =	swait.ge [sflag:s29], $0x1  }
0xb6: {  	[sflag:s29] =	ssyncadd.s32 $0xFFFFFFFF  }
0xb7: {  	_ =	strace $0x90000048  }
0xb8: {  	_ =	sfence  }
0xb9: {  	s30 =	sld [smem:$0x0];
	_ =	sdelay $0x2  }
0xba: {  	s31 =	sshll.u32 s1, $0xD;
	s1 =	sshrl.u32 s1, $0x2  }
0xbb: {  	s3 =	sand.u32 $0x4000, s31;
	s1 =	sadd.s32 s1, s30  }
0xbc: {  	s0 =	sor.u32 s3, s0;
	s1 =	sshll.u32 s1, $0x11  }
0xbd: {  	s0 =	sor.u32 s1, s0  }
0xbe: {  	s0 =	sadd.s32 $0x8F2B, s0  }
0xbf: {  	[sflag:s0] =	ssyncadd.remote.s32 $0x1  }
0xc0: {  	_ =	sfence.sel $0xFFFF  }
0xc1: {  	[dreg:$0x0] =	wrdreg $0xFFFFFFFF;
	(pc) =	sbr.abs _section_cstart, $3  }
0xc2: {  	[dreg:$0x1] =	wrdreg $0xFFFFFFFF  }
0xc3: {  	_ =	task.clear_ibuf [dreg:s8], $0x2FFFF;
	_ =	strace $0x9FFFFFFF  }
0xc4: {  	(tm) =	ssettm $0x7FFFFFFF  }
0xc5: {  	_ =	shalt  }
tec
execute0_lowered:
.L_overlay_start_1:
0x0: {  	(tag) =	ssettag $0x1  }
0x1: {  	s1 =	srdreg.scid  }
0x2: {  	s4 =	rddreg [dreg:$0x0];
	s0 =	stileid.u32;
	s9 =	sand.u32 $0x1, s1  }
0x3: {  	s2 =	rddreg [dreg:$0x1];
	s30 =	sshll.u32 s0, $0x4;
	s3 =	sshll.u32 s9, $0x3  }
0x4: {  	s14 =	rddreg [dreg:$0x2];
	s15 =	sor.u32 s3, s30  }
0x5: {  	s1 =	rddreg [dreg:$0x3];
	s3 =	simm.s32 $0x0;
	s5 =	sshrl.u32 s15, $0x3  }
0x6: {  	[smem:$0x7FF] =	sst s3;
	s4 =	sadd.s32 s5, s4  }
0x7: {  	_ =	strace $0x80000047;
	s5 =	sadd.s32 $0x800, s4;
	s4 =	simm.s32 $0x2  }
0x8: {  	[tilespmem:s3], [sflag:$0x2] =	stream.linear.gather [hbm4b:s5+s3], $0x8, $0x38;
	[tilespmem:$0x2080] =	vst v63  }
0x9: {  	_ =	swait.ge [sflag:s4], $0x8  }
0xa: {  	[sflag:s4] =	ssyncset.done $0x0  }
0xb: {  	[sflag:s4] =	ssyncadd.s32 $0xFFFFFFF8  }
0xc: {  	v0 =	vld.msk [tilespmem:$0x0], $0xff;
	_ =	sdelay $0x4  }
0xd: {  	v1 =	vshll.u32 v0, $0x3  }
0xe: {  	v2 =	vlaneseq.u32;
	v3 =	vand.u32 $0x7, v0;
	v1 =	vand.u32 $0xFFFFFFC0, v1  }
0xf: {  	v0 =	vand.u32 $0x7, v2;
	v2 =	vshrl.u32 v2, $0x3;
	v3 =	vor.u32 v3, v1  }
0x10: {  	v1 =	vmul.u32 $0x8, v2;
	v2 =	vperm.xlane v3, v0;
	_ =	sdelay $0x1  }
0x11: {  	v2 =	vadd.s32 v1, v2;
	_ =	sdelay $0x3  }
0x12: {  	vm0 =	vmmov $0xffff;
	s6 =	simm.s32 $0x80;
	s8 =	simm.s32 $0x880;
	s16 =	ssub.s32 $0x2, s9  }
0x13: {  	[tilespmem:s6], [sflag:$0x1] =	stream.indirect_vreg.gather [hbm4b:s2+s3], $0x80, v2, vm0, $0xb8;
	[tilespmem:$0x2080] =	vst v63  }
0x14: {  	s10 =	simm.s32 $0x1080;
	s7 =	sadd.s32 $0x100, s2;
	s17 =	sshrl.u32 s16, $0x1  }
0x15: {  	[tilespmem:s8], [sflag:$0x1] =	stream.indirect_vreg.gather [hbm4b:s7+s3], $0x80, v2, vm0, $0xb8;
	[tilespmem:$0x2080] =	vst v63  }
0x16: {  	s12 =	simm.s32 $0x1880;
	s9 =	sadd.s32 $0x200, s2;
	s16 =	ssub.s32 s16, s17  }
0x17: {  	[tilespmem:s10], [sflag:$0x1] =	stream.indirect_vreg.gather [hbm4b:s9+s3], $0x80, v2, vm0, $0xb8;
	[tilespmem:$0x2080] =	vst v63  }
0x18: {  	s13 =	simm.s32 $0x1;
	s11 =	sadd.s32 $0x300, s2;
	s31 =	smax.u32 s16, $0x1  }
0x19: {  	[tilespmem:s12], [sflag:$0x1] =	stream.indirect_vreg.gather [hbm4b:s11+s3], $0x80, v2, vm0, $0xb8;
	[tilespmem:$0x2080] =	vst v63  }
0x1a: {  	p0 =	sne.s32 s31, $0x1;
	_ =	swait.ge [sflag:s13], $0x2000  }
.Ltmp0:
0x1b: {  	s15 =	sshll.u32 s15, $0x7;
	[sflag:s13] =	ssyncset.done $0x0;
	(pc) =	sbr.rel @!p0 .LBB2_2-.Ltmp0, $4  }
0x1c: {  	s14 =	sadd.s32 s14, s15;
	[sflag:s13] =	ssyncadd.s32 $0xFFFFE000  }
0x1d: {  	[hbm4b:s14+s3] =	stream.linear.scatter [tilespmem:s6], [sflag:$0x2], $0x2000, $0x38;
	[tilespmem:$0x2080] =	vst v63  }
0x1e: {  	_ =	swait.ge [sflag:s4], $0x2000  }
0x1f: {  	s15 =	sadd.s32 $0xFFFFFFFF, s31;
	[sflag:s4] =	ssyncset.done $0x0  }
.LBB2_1:
0x20: {  	p0 =	sne.s32 s15, $0x1;
	s15 =	sadd.s32 $0xFFFFFFFF, s15;
	[sflag:s4] =	ssyncadd.s32 $0xFFFFE000  }
0x21: {  	[tilespmem:s3], [sflag:$0x2] =	stream.linear.gather [hbm4b:s5+s3], $0x8, $0x38;
	[tilespmem:$0x2080] =	vst v63  }
0x22: {  	_ =	swait.ge [sflag:s4], $0x8  }
0x23: {  	[sflag:s4] =	ssyncset.done $0x0  }
0x24: {  	[sflag:s4] =	ssyncadd.s32 $0xFFFFFFF8  }
0x25: {  	v2 =	vld.msk [tilespmem:$0x0], $0xff;
	_ =	sdelay $0x4  }
0x26: {  	v3 =	vshll.u32 v2, $0x3  }
0x27: {  	v2 =	vand.u32 $0x7, v2;
	v3 =	vand.u32 $0xFFFFFFC0, v3  }
0x28: {  	v2 =	vor.u32 v2, v3  }
0x29: {  	v2 =	vperm.xlane v2, v0;
	_ =	sdelay $0x1  }
0x2a: {  	v2 =	vadd.s32 v1, v2;
	_ =	sdelay $0x4  }
0x2b: {  	[tilespmem:s6], [sflag:$0x1] =	stream.indirect_vreg.gather [hbm4b:s2+s3], $0x80, v2, vm0, $0xb8;
	[tilespmem:$0x2080] =	vst v63  }
0x2c: {  	_ = 	snop  }
0x2d: {  	[tilespmem:s8], [sflag:$0x1] =	stream.indirect_vreg.gather [hbm4b:s7+s3], $0x80, v2, vm0, $0xb8;
	[tilespmem:$0x2080] =	vst v63  }
0x2e: {  	_ = 	snop  }
0x2f: {  	[tilespmem:s10], [sflag:$0x1] =	stream.indirect_vreg.gather [hbm4b:s9+s3], $0x80, v2, vm0, $0xb8;
	[tilespmem:$0x2080] =	vst v63  }
0x30: {  	_ = 	snop  }
0x31: {  	[tilespmem:s12], [sflag:$0x1] =	stream.indirect_vreg.gather [hbm4b:s11+s3], $0x80, v2, vm0, $0xb8;
	[tilespmem:$0x2080] =	vst v63  }
0x32: {  	_ =	swait.ge [sflag:s13], $0x2000  }
.Ltmp1:
0x33: {  	[sflag:s13] =	ssyncset.done $0x0;
	(pc) =	sbr.rel @p0 .LBB2_1-.Ltmp1, $4  }
0x34: {  	[sflag:s13] =	ssyncadd.s32 $0xFFFFE000  }
0x35: {  	[hbm4b:s14+s3] =	stream.linear.scatter [tilespmem:s6], [sflag:$0x2], $0x2000, $0x38;
	[tilespmem:$0x2080] =	vst v63  }
0x36: {  	_ =	swait.ge [sflag:s4], $0x2000  }
0x37: {  	[sflag:s4] =	ssyncset.done $0x0  }
.LBB2_2:
0x38: {  	[sflag:s4] =	ssyncadd.s32 $0xFFFFE000  }
0x39: {  	_ =	sfence.sel $0x180000  }
0x3a: {  	[bflag:$0x0] =	sbarrier.arrive $0xFFFF  }
0x3b: {  	p0 =	sne.s32 s0, $0x0;
	_ =	strace $0x90000047  }
0x3c: {  	s0 =	sadd.s32 @!p0 $0x100000, s1;
	[bflag:$0x2] =	sbarrier.arrive $0xFFFF  }
0x3d: {  	[sflag:s0] =	ssyncadd.tile.s32 @!p0 $0x1;
	_ =	shalt  }
.Lfunc_end2:
_tile_overlayer_lowered:
.L_overlay_start_2:
0x3e: {  	(tag) =	ssettag $0x2  }
0x3f: {  	s0 =	rddreg [dreg:$0x0];
	s2 =	stileid.u32  }
0x40: {  	s1 =	rddreg [dreg:$0x1];
	p0 =	sne.s32 s2, $0x0  }
0x41: {  	s3 =	rddreg [dreg:$0x2];
	[bflag:$0x3] =	sbarrier.arrive $0xFFFF;
	s2 =	simm.s32 @!p0 $0x1C02  }
0x42: {  	[timem:s3], [sflag:s2] =	dma.local @!p0 [hbm:s0], s1  }
0x43: {  	s0 =	simm.s32 @!p0 $0x2  }
0x44: {  	_ =	swait.ge @!p0 [sflag:s0], s1  }
0x45: {  	s1 =	ssub.s32 @!p0 $0x0, s1;
	[sflag:s0] =	ssyncset.done @!p0 $0x0  }
0x46: {  	[sflag:s0] =	ssyncadd.s32 @!p0 s1  }
0x47: {  	[bflag:$0x3] =	sbarrier.arrive $0xFFFF  }
0x48: {  	_ =	shalt  }

</sc_bundles>
